<compile_context>
chip_gen: v7x
topology: tpu7x:2x2x1
jax: 0.10.2.dev20260603
libtpu: 0.0.44.dev20260713+nightly
codegen_flags: <defaults>
</compile_context>

<pallas_src>
import functools

import jax
import jax.numpy as jnp
from jax import lax
from jax.experimental import pallas as pl
from jax.experimental.pallas import tpu as pltpu
from jax.experimental.pallas import tpu_sc as plsc

V = 1_000_000
E = 64
CTX = 200
NC, NS, L = 2, 16, 16
NW = NC * NS
CPW = 8
CTXP = NW * CPW


def _sc_gather_sum(idx_hbm, tab_hbm, out_hbm, idx_v, rows_v, acc_v, sem):
    w = lax.axis_index("s") * NC + lax.axis_index("c")
    base = w * CPW
    pltpu.sync_copy(idx_hbm.at[pl.ds(base, CPW)], idx_v)
    pltpu.async_copy(tab_hbm.at[idx_v], rows_v, sem)
    pltpu.make_async_copy(tab_hbm.at[idx_v], rows_v, sem).wait()
    for c in range(E // L):
        acc = jnp.zeros((L,), jnp.float32)
        for r in range(CPW):
            m = jnp.where(base + r < CTX, 1.0, 0.0)
            acc = acc + rows_v[r, pl.ds(c * L, L)] * m
        acc_v[pl.ds(c * L, L)] = acc
    pltpu.sync_copy(acc_v, out_hbm.at[w])


@functools.cache
def _gather():
    return pl.kernel(
        _sc_gather_sum,
        out_type=jax.ShapeDtypeStruct((NW, E), jnp.float32),
        mesh=plsc.VectorSubcoreMesh(
            core_axis_name="c", subcore_axis_name="s", num_cores=NC, num_subcores=NS
        ),
        scratch_types=[
            pltpu.VMEM((CPW,), jnp.int32),
            pltpu.VMEM((CPW, E), jnp.float32),
            pltpu.VMEM((E,), jnp.float32),
            pltpu.SemaphoreType.DMA,
        ],
        compiler_params=pltpu.CompilerParams(use_tc_tiling_on_sc=False),
    )


BLKV = 16_384
NBV = (V + BLKV - 1) // BLKV


def _tc_matvec(part_ref, w_ref, b_ref, out_ref):
    emb = jnp.sum(part_ref[...], axis=0, keepdims=True)
    res = lax.dot_general(emb, w_ref[...], (((1,), (1,)), ((), ())),
                          preferred_element_type=jnp.float32)
    out_ref[...] = res[0] + b_ref[...]


_matvec = pl.pallas_call(
    _tc_matvec,
    grid=(NBV,),
    in_specs=[
        pl.BlockSpec((NW, E), lambda i: (0, 0)),
        pl.BlockSpec((BLKV, E), lambda i: (i, 0)),
        pl.BlockSpec((BLKV,), lambda i: (i,)),
    ],
    out_specs=pl.BlockSpec((BLKV,), lambda i: (i,)),
    out_shape=jax.ShapeDtypeStruct((V,), jnp.float32),
)


def kernel(inputs, emb_table, W, b):
    idx_pad = jnp.concatenate(
        [inputs, jnp.zeros((CTXP - CTX,), jnp.int32)]
    )
    partials = _gather()(idx_pad, emb_table)
    return _matvec(partials, W, b)

# --- scband reference (transcript-rebuilt; emitter-appended) ---
"""Pipeline reference for scband-cbow-9345848836586 (READ-ONLY COPY).

The authoritative reference and input builder live on the scoring server;
editing this copy changes nothing except your own understanding.
"""

import jax, jax.numpy as jnp
import numpy as np

VOCAB = 1000000
EMBED = 64
CTX = 200

def setup_inputs(seed: int = 0) -> dict:
    key = jax.random.key(seed)
    k1, k2, k3, k4 = jax.random.split(key, 4)
    inputs = jax.random.randint(k1, (CTX,), 0, VOCAB, dtype=jnp.int64 if jax.config.jax_enable_x64 else jnp.int32).astype(jnp.int32)
    emb_table = jax.random.normal(k2, (VOCAB, EMBED), dtype=jnp.float32) * 0.02
    W = jax.random.normal(k3, (VOCAB, EMBED), dtype=jnp.float32) * 0.02
    b = jax.random.normal(k4, (VOCAB,), dtype=jnp.float32) * 0.02
    return {"inputs": inputs, "emb_table": emb_table, "W": W, "b": b}

def reference(inputs, emb_table, W, b):
    # lookup_embeds = self.embeddings(inputs)  -> [CTX, EMBED]
    lookup_embeds = jnp.take(emb_table, inputs, axis=0)
    # embeds = lookup_embeds.sum(dim=0) -> [EMBED]
    embeds = lookup_embeds.sum(axis=0)
    # out = self.linear(embeds) -> [VOCAB]
    out = embeds @ W.T + b
    return out

if __name__ == "__main__":
    import jax
    _d = setup_inputs()
    print(jax.jit(kernel)(*tuple(_d.values())))

</pallas_src>

<mosaic_0001>
#map = affine_map<(d0, d1) -> (0)>
#map1 = affine_map<(d0, d1) -> (0, 0)>
module attributes {stable_mosaic.version = 14 : i64} {
  func.func @_sc_gather_sum(%arg0: i32, %arg1: i32, %arg2: memref<256xi32, #tpu.memory_space<hbm>>, %arg3: memref<1000000x64xf32, #tpu.memory_space<hbm>>, %arg4: memref<32x64xf32, #tpu.memory_space<hbm>>, %arg5: memref<8xi32, #tpu.memory_space<vmem>>, %arg6: memref<8x64xf32, #tpu.memory_space<vmem>>, %arg7: memref<64xf32, #tpu.memory_space<vmem>>, %arg8: memref<!tpu.dma_semaphore, #tpu.memory_space<semaphore_mem>>) attributes {dimension_semantics = [#tpu.dimension_semantics<core_parallel>, #tpu.dimension_semantics<subcore_parallel>], iteration_bounds = array<i64: 2, 16>, scalar_prefetch = 0 : i64, scratch_operands = 4 : i64, tpu.core_type = #tpu.core_type<sc_vector_subcore>, window_params = [{transform_indices = #map}, {transform_indices = #map1}, {transform_indices = #map1}]} {
    %mul3A = arith.constant 2 : i32
    %mul3A_0 = arith.muli %arg1, %mul3A : i32
    %add3A = arith.addi %mul3A_0, %arg0 : i32
    %mul3A_1 = arith.constant 8 : i32
    %mul3A_2 = arith.muli %add3A, %mul3A_1 : i32
    "tpu.region"() ({
      %run_scoped3A = tpu.sem_alloc : memref<!tpu.dma_semaphore, #tpu.memory_space<semaphore_mem>>
      %dma_start3A_505 = tpu.memref_slice %arg2[%mul3A_2] : memref<256xi32, #tpu.memory_space<hbm>> -> memref<8xi32, #tpu.memory_space<hbm>>
      %dma_start3A_506 = tpu.memref_slice %arg2[%mul3A_2] : memref<256xi32, #tpu.memory_space<hbm>> -> memref<8xi32, #tpu.memory_space<hbm>>
      tpu.enqueue_dma source(%dma_start3A_506 : memref<8xi32, #tpu.memory_space<hbm>>) target(%arg5 : memref<8xi32, #tpu.memory_space<vmem>>) target_semaphore(%run_scoped3A : memref<!tpu.dma_semaphore, #tpu.memory_space<semaphore_mem>>)
      %dma_wait3A_507 = tpu.memref_slice %arg2[%mul3A_2] : memref<256xi32, #tpu.memory_space<hbm>> -> memref<8xi32, #tpu.memory_space<hbm>>
      %dma_wait3A_508 = tpu.memref_slice %arg2[%mul3A_2] : memref<256xi32, #tpu.memory_space<hbm>> -> memref<8xi32, #tpu.memory_space<hbm>>
      tpu.wait_dma2 semaphore(%run_scoped3A : memref<!tpu.dma_semaphore, #tpu.memory_space<semaphore_mem>>) src(%dma_wait3A_508 : memref<8xi32, #tpu.memory_space<hbm>>) dst(%arg5 : memref<8xi32, #tpu.memory_space<vmem>>)
      tpu.yield
    }) : () -> ()
    %dma_start3A = arith.constant 0 : i32
    %dma_start3A_3 = arith.constant 0 : i32
    %dma_start3A_4 = tpu.memref_slice %arg3[%dma_start3A, %dma_start3A_3] : memref<1000000x64xf32, #tpu.memory_space<hbm>> -> memref<1000000x64xf32, #tpu.memory_space<hbm>>
    tpu.enqueue_indirect_dma source(%dma_start3A_4 : memref<1000000x64xf32, #tpu.memory_space<hbm>>) target(%arg6 : memref<8x64xf32, #tpu.memory_space<vmem>>) offsets(%arg5 : memref<8xi32, #tpu.memory_space<vmem>>) semaphore(%arg8 : memref<!tpu.dma_semaphore, #tpu.memory_space<semaphore_mem>>)
    %dma_wait3A = arith.constant 0 : i32
    %dma_wait3A_5 = arith.constant 0 : i32
    %dma_wait3A_6 = tpu.memref_slice %arg3[%dma_wait3A, %dma_wait3A_5] : memref<1000000x64xf32, #tpu.memory_space<hbm>> -> memref<1000000x64xf32, #tpu.memory_space<hbm>>
    tpu.wait_indirect_dma semaphore(%arg8 : memref<!tpu.dma_semaphore, #tpu.memory_space<semaphore_mem>>) src(%dma_wait3A_6 : memref<1000000x64xf32, #tpu.memory_space<hbm>>) dst(%arg6 : memref<8x64xf32, #tpu.memory_space<vmem>>)
    %broadcast_in_dim3A = arith.constant 0.000000e+00 : f32
    %broadcast_in_dim3A_7 = vector.broadcast %broadcast_in_dim3A : f32 to vector<16xf32>
    %add3A_8 = arith.constant 0 : i32
    %add3A_9 = arith.addi %mul3A_2, %add3A_8 : i32
    %lt3A = arith.constant 200 : i32
    %lt3A_10 = arith.cmpi slt, %add3A_9, %lt3A : i32
    %jit3A = arith.constant 1.000000e+00 : f32
    %jit3A_11 = arith.constant 0.000000e+00 : f32
    %select_n3A = arith.select %lt3A_10, %jit3A, %jit3A_11 : f32
    %get3A = arith.constant 0 : i32
    %get3A_12 = arith.index_cast %get3A : i32 to index
    %get3A_13 = arith.constant 0 : index
    %get3A_14 = tpu.vector_load %arg6[%get3A_12, %get3A_13] {strides = array<i32>} : memref<8x64xf32, #tpu.memory_space<vmem>>, vector<1x16xf32>,
    %get3A_15 = vector.shape_cast %get3A_14 : vector<1x16xf32> to vector<16xf32>
    %mul3A_16 = vector.broadcast %select_n3A : f32 to vector<16xf32>
    %mul3A_17 = arith.mulf %get3A_15, %mul3A_16 : vector<16xf32>
    %add3A_18 = arith.addf %broadcast_in_dim3A_7, %mul3A_17 : vector<16xf32>
    %add3A_19 = arith.constant 1 : i32
    %add3A_20 = arith.addi %mul3A_2, %add3A_19 : i32
    %lt3A_21 = arith.constant 200 : i32
    %lt3A_22 = arith.cmpi slt, %add3A_20, %lt3A_21 : i32
    %jit3A_23 = arith.constant 1.000000e+00 : f32
    %jit3A_24 = arith.constant 0.000000e+00 : f32
    %select_n3A_25 = arith.select %lt3A_22, %jit3A_23, %jit3A_24 : f32
    %get3A_26 = arith.constant 1 : i32
    %get3A_27 = arith.index_cast %get3A_26 : i32 to index
    %get3A_28 = arith.constant 0 : index
    %get3A_29 = tpu.vector_load %arg6[%get3A_27, %get3A_28] {strides = array<i32>} : memref<8x64xf32, #tpu.memory_space<vmem>>, vector<1x16xf32>,
    %get3A_30 = vector.shape_cast %get3A_29 : vector<1x16xf32> to vector<16xf32>
    %mul3A_31 = vector.broadcast %select_n3A_25 : f32 to vector<16xf32>
    %mul3A_32 = arith.mulf %get3A_30, %mul3A_31 : vector<16xf32>
    %add3A_33 = arith.addf %add3A_18, %mul3A_32 : vector<16xf32>
    %add3A_34 = arith.constant 2 : i32
    %add3A_35 = arith.addi %mul3A_2, %add3A_34 : i32
    %lt3A_36 = arith.constant 200 : i32
    %lt3A_37 = arith.cmpi slt, %add3A_35, %lt3A_36 : i32
    %jit3A_38 = arith.constant 1.000000e+00 : f32
    %jit3A_39 = arith.constant 0.000000e+00 : f32
    %select_n3A_40 = arith.select %lt3A_37, %jit3A_38, %jit3A_39 : f32
    %get3A_41 = arith.constant 2 : i32
    %get3A_42 = arith.index_cast %get3A_41 : i32 to index
    %get3A_43 = arith.constant 0 : index
    %get3A_44 = tpu.vector_load %arg6[%get3A_42, %get3A_43] {strides = array<i32>} : memref<8x64xf32, #tpu.memory_space<vmem>>, vector<1x16xf32>,
    %get3A_45 = vector.shape_cast %get3A_44 : vector<1x16xf32> to vector<16xf32>
    %mul3A_46 = vector.broadcast %select_n3A_40 : f32 to vector<16xf32>
    %mul3A_47 = arith.mulf %get3A_45, %mul3A_46 : vector<16xf32>
    %add3A_48 = arith.addf %add3A_33, %mul3A_47 : vector<16xf32>
    %add3A_49 = arith.constant 3 : i32
    %add3A_50 = arith.addi %mul3A_2, %add3A_49 : i32
    %lt3A_51 = arith.constant 200 : i32
    %lt3A_52 = arith.cmpi slt, %add3A_50, %lt3A_51 : i32
    %jit3A_53 = arith.constant 1.000000e+00 : f32
    %jit3A_54 = arith.constant 0.000000e+00 : f32
    %select_n3A_55 = arith.select %lt3A_52, %jit3A_53, %jit3A_54 : f32
    %get3A_56 = arith.constant 3 : i32
    %get3A_57 = arith.index_cast %get3A_56 : i32 to index
    %get3A_58 = arith.constant 0 : index
    %get3A_59 = tpu.vector_load %arg6[%get3A_57, %get3A_58] {strides = array<i32>} : memref<8x64xf32, #tpu.memory_space<vmem>>, vector<1x16xf32>,
    %get3A_60 = vector.shape_cast %get3A_59 : vector<1x16xf32> to vector<16xf32>
    %mul3A_61 = vector.broadcast %select_n3A_55 : f32 to vector<16xf32>
    %mul3A_62 = arith.mulf %get3A_60, %mul3A_61 : vector<16xf32>
    %add3A_63 = arith.addf %add3A_48, %mul3A_62 : vector<16xf32>
    %add3A_64 = arith.constant 4 : i32
    %add3A_65 = arith.addi %mul3A_2, %add3A_64 : i32
    %lt3A_66 = arith.constant 200 : i32
    %lt3A_67 = arith.cmpi slt, %add3A_65, %lt3A_66 : i32
    %jit3A_68 = arith.constant 1.000000e+00 : f32
    %jit3A_69 = arith.constant 0.000000e+00 : f32
    %select_n3A_70 = arith.select %lt3A_67, %jit3A_68, %jit3A_69 : f32
    %get3A_71 = arith.constant 4 : i32
    %get3A_72 = arith.index_cast %get3A_71 : i32 to index
    %get3A_73 = arith.constant 0 : index
    %get3A_74 = tpu.vector_load %arg6[%get3A_72, %get3A_73] {strides = array<i32>} : memref<8x64xf32, #tpu.memory_space<vmem>>, vector<1x16xf32>,
    %get3A_75 = vector.shape_cast %get3A_74 : vector<1x16xf32> to vector<16xf32>
    %mul3A_76 = vector.broadcast %select_n3A_70 : f32 to vector<16xf32>
    %mul3A_77 = arith.mulf %get3A_75, %mul3A_76 : vector<16xf32>
    %add3A_78 = arith.addf %add3A_63, %mul3A_77 : vector<16xf32>
    %add3A_79 = arith.constant 5 : i32
    %add3A_80 = arith.addi %mul3A_2, %add3A_79 : i32
    %lt3A_81 = arith.constant 200 : i32
    %lt3A_82 = arith.cmpi slt, %add3A_80, %lt3A_81 : i32
    %jit3A_83 = arith.constant 1.000000e+00 : f32
    %jit3A_84 = arith.constant 0.000000e+00 : f32
    %select_n3A_85 = arith.select %lt3A_82, %jit3A_83, %jit3A_84 : f32
    %get3A_86 = arith.constant 5 : i32
    %get3A_87 = arith.index_cast %get3A_86 : i32 to index
    %get3A_88 = arith.constant 0 : index
    %get3A_89 = tpu.vector_load %arg6[%get3A_87, %get3A_88] {strides = array<i32>} : memref<8x64xf32, #tpu.memory_space<vmem>>, vector<1x16xf32>,
    %get3A_90 = vector.shape_cast %get3A_89 : vector<1x16xf32> to vector<16xf32>
    %mul3A_91 = vector.broadcast %select_n3A_85 : f32 to vector<16xf32>
    %mul3A_92 = arith.mulf %get3A_90, %mul3A_91 : vector<16xf32>
    %add3A_93 = arith.addf %add3A_78, %mul3A_92 : vector<16xf32>
    %add3A_94 = arith.constant 6 : i32
    %add3A_95 = arith.addi %mul3A_2, %add3A_94 : i32
    %lt3A_96 = arith.constant 200 : i32
    %lt3A_97 = arith.cmpi slt, %add3A_95, %lt3A_96 : i32
    %jit3A_98 = arith.constant 1.000000e+00 : f32
    %jit3A_99 = arith.constant 0.000000e+00 : f32
    %select_n3A_100 = arith.select %lt3A_97, %jit3A_98, %jit3A_99 : f32
    %get3A_101 = arith.constant 6 : i32
    %get3A_102 = arith.index_cast %get3A_101 : i32 to index
    %get3A_103 = arith.constant 0 : index
    %get3A_104 = tpu.vector_load %arg6[%get3A_102, %get3A_103] {strides = array<i32>} : memref<8x64xf32, #tpu.memory_space<vmem>>, vector<1x16xf32>,
    %get3A_105 = vector.shape_cast %get3A_104 : vector<1x16xf32> to vector<16xf32>
    %mul3A_106 = vector.broadcast %select_n3A_100 : f32 to vector<16xf32>
    %mul3A_107 = arith.mulf %get3A_105, %mul3A_106 : vector<16xf32>
    %add3A_108 = arith.addf %add3A_93, %mul3A_107 : vector<16xf32>
    %add3A_109 = arith.constant 7 : i32
    %add3A_110 = arith.addi %mul3A_2, %add3A_109 : i32
    %lt3A_111 = arith.constant 200 : i32
    %lt3A_112 = arith.cmpi slt, %add3A_110, %lt3A_111 : i32
    %jit3A_113 = arith.constant 1.000000e+00 : f32
    %jit3A_114 = arith.constant 0.000000e+00 : f32
    %select_n3A_115 = arith.select %lt3A_112, %jit3A_113, %jit3A_114 : f32
    %get3A_116 = arith.constant 7 : i32
    %get3A_117 = arith.index_cast %get3A_116 : i32 to index
    %get3A_118 = arith.constant 0 : index
    %get3A_119 = tpu.vector_load %arg6[%get3A_117, %get3A_118] {strides = array<i32>} : memref<8x64xf32, #tpu.memory_space<vmem>>, vector<1x16xf32>,
    %get3A_120 = vector.shape_cast %get3A_119 : vector<1x16xf32> to vector<16xf32>
    %mul3A_121 = vector.broadcast %select_n3A_115 : f32 to vector<16xf32>
    %mul3A_122 = arith.mulf %get3A_120, %mul3A_121 : vector<16xf32>
    %add3A_123 = arith.addf %add3A_108, %mul3A_122 : vector<16xf32>
    %swap3A = arith.constant 0 : index
    %swap3A_124 = tpu.vector_load %arg7[%swap3A] {strides = array<i32>} : memref<64xf32, #tpu.memory_space<vmem>>, vector<16xf32>,
    %swap3A_125 = vector.shape_cast %swap3A_124 : vector<16xf32> to vector<16xf32>
    %swap3A_126 = vector.shape_cast %add3A_123 : vector<16xf32> to vector<16xf32>
    tpu.vector_store %arg7[%swap3A], %swap3A_126 {strides = array<i32>} : memref<64xf32, #tpu.memory_space<vmem>>, vector<16xf32>,
    %broadcast_in_dim3A_127 = arith.constant 0.000000e+00 : f32
    %broadcast_in_dim3A_128 = vector.broadcast %broadcast_in_dim3A_127 : f32 to vector<16xf32>
    %add3A_129 = arith.constant 0 : i32
    %add3A_130 = arith.addi %mul3A_2, %add3A_129 : i32
    %lt3A_131 = arith.constant 200 : i32
    %lt3A_132 = arith.cmpi slt, %add3A_130, %lt3A_131 : i32
    %jit3A_133 = arith.constant 1.000000e+00 : f32
    %jit3A_134 = arith.constant 0.000000e+00 : f32
    %select_n3A_135 = arith.select %lt3A_132, %jit3A_133, %jit3A_134 : f32
    %get3A_136 = arith.constant 0 : i32
    %get3A_137 = arith.index_cast %get3A_136 : i32 to index
    %get3A_138 = arith.constant 16 : index
    %get3A_139 = tpu.vector_load %arg6[%get3A_137, %get3A_138] {strides = array<i32>} : memref<8x64xf32, #tpu.memory_space<vmem>>, vector<1x16xf32>,
    %get3A_140 = vector.shape_cast %get3A_139 : vector<1x16xf32> to vector<16xf32>
    %mul3A_141 = vector.broadcast %select_n3A_135 : f32 to vector<16xf32>
    %mul3A_142 = arith.mulf %get3A_140, %mul3A_141 : vector<16xf32>
    %add3A_143 = arith.addf %broadcast_in_dim3A_128, %mul3A_142 : vector<16xf32>
    %add3A_144 = arith.constant 1 : i32
    %add3A_145 = arith.addi %mul3A_2, %add3A_144 : i32
    %lt3A_146 = arith.constant 200 : i32
    %lt3A_147 = arith.cmpi slt, %add3A_145, %lt3A_146 : i32
    %jit3A_148 = arith.constant 1.000000e+00 : f32
    %jit3A_149 = arith.constant 0.000000e+00 : f32
    %select_n3A_150 = arith.select %lt3A_147, %jit3A_148, %jit3A_149 : f32
    %get3A_151 = arith.constant 1 : i32
    %get3A_152 = arith.index_cast %get3A_151 : i32 to index
    %get3A_153 = arith.constant 16 : index
    %get3A_154 = tpu.vector_load %arg6[%get3A_152, %get3A_153] {strides = array<i32>} : memref<8x64xf32, #tpu.memory_space<vmem>>, vector<1x16xf32>,
    %get3A_155 = vector.shape_cast %get3A_154 : vector<1x16xf32> to vector<16xf32>
    %mul3A_156 = vector.broadcast %select_n3A_150 : f32 to vector<16xf32>
    %mul3A_157 = arith.mulf %get3A_155, %mul3A_156 : vector<16xf32>
    %add3A_158 = arith.addf %add3A_143, %mul3A_157 : vector<16xf32>
    %add3A_159 = arith.constant 2 : i32
    %add3A_160 = arith.addi %mul3A_2, %add3A_159 : i32
    %lt3A_161 = arith.constant 200 : i32
    %lt3A_162 = arith.cmpi slt, %add3A_160, %lt3A_161 : i32
    %jit3A_163 = arith.constant 1.000000e+00 : f32
    %jit3A_164 = arith.constant 0.000000e+00 : f32
    %select_n3A_165 = arith.select %lt3A_162, %jit3A_163, %jit3A_164 : f32
    %get3A_166 = arith.constant 2 : i32
    %get3A_167 = arith.index_cast %get3A_166 : i32 to index
    %get3A_168 = arith.constant 16 : index
    %get3A_169 = tpu.vector_load %arg6[%get3A_167, %get3A_168] {strides = array<i32>} : memref<8x64xf32, #tpu.memory_space<vmem>>, vector<1x16xf32>,
    %get3A_170 = vector.shape_cast %get3A_169 : vector<1x16xf32> to vector<16xf32>
    %mul3A_171 = vector.broadcast %select_n3A_165 : f32 to vector<16xf32>
    %mul3A_172 = arith.mulf %get3A_170, %mul3A_171 : vector<16xf32>
    %add3A_173 = arith.addf %add3A_158, %mul3A_172 : vector<16xf32>
    %add3A_174 = arith.constant 3 : i32
    %add3A_175 = arith.addi %mul3A_2, %add3A_174 : i32
    %lt3A_176 = arith.constant 200 : i32
    %lt3A_177 = arith.cmpi slt, %add3A_175, %lt3A_176 : i32
    %jit3A_178 = arith.constant 1.000000e+00 : f32
    %jit3A_179 = arith.constant 0.000000e+00 : f32
    %select_n3A_180 = arith.select %lt3A_177, %jit3A_178, %jit3A_179 : f32
    %get3A_181 = arith.constant 3 : i32
    %get3A_182 = arith.index_cast %get3A_181 : i32 to index
    %get3A_183 = arith.constant 16 : index
    %get3A_184 = tpu.vector_load %arg6[%get3A_182, %get3A_183] {strides = array<i32>} : memref<8x64xf32, #tpu.memory_space<vmem>>, vector<1x16xf32>,
    %get3A_185 = vector.shape_cast %get3A_184 : vector<1x16xf32> to vector<16xf32>
    %mul3A_186 = vector.broadcast %select_n3A_180 : f32 to vector<16xf32>
    %mul3A_187 = arith.mulf %get3A_185, %mul3A_186 : vector<16xf32>
    %add3A_188 = arith.addf %add3A_173, %mul3A_187 : vector<16xf32>
    %add3A_189 = arith.constant 4 : i32
    %add3A_190 = arith.addi %mul3A_2, %add3A_189 : i32
    %lt3A_191 = arith.constant 200 : i32
    %lt3A_192 = arith.cmpi slt, %add3A_190, %lt3A_191 : i32
    %jit3A_193 = arith.constant 1.000000e+00 : f32
    %jit3A_194 = arith.constant 0.000000e+00 : f32
    %select_n3A_195 = arith.select %lt3A_192, %jit3A_193, %jit3A_194 : f32
    %get3A_196 = arith.constant 4 : i32
    %get3A_197 = arith.index_cast %get3A_196 : i32 to index
    %get3A_198 = arith.constant 16 : index
    %get3A_199 = tpu.vector_load %arg6[%get3A_197, %get3A_198] {strides = array<i32>} : memref<8x64xf32, #tpu.memory_space<vmem>>, vector<1x16xf32>,
    %get3A_200 = vector.shape_cast %get3A_199 : vector<1x16xf32> to vector<16xf32>
    %mul3A_201 = vector.broadcast %select_n3A_195 : f32 to vector<16xf32>
    %mul3A_202 = arith.mulf %get3A_200, %mul3A_201 : vector<16xf32>
    %add3A_203 = arith.addf %add3A_188, %mul3A_202 : vector<16xf32>
    %add3A_204 = arith.constant 5 : i32
    %add3A_205 = arith.addi %mul3A_2, %add3A_204 : i32
    %lt3A_206 = arith.constant 200 : i32
    %lt3A_207 = arith.cmpi slt, %add3A_205, %lt3A_206 : i32
    %jit3A_208 = arith.constant 1.000000e+00 : f32
    %jit3A_209 = arith.constant 0.000000e+00 : f32
    %select_n3A_210 = arith.select %lt3A_207, %jit3A_208, %jit3A_209 : f32
    %get3A_211 = arith.constant 5 : i32
    %get3A_212 = arith.index_cast %get3A_211 : i32 to index
    %get3A_213 = arith.constant 16 : index
    %get3A_214 = tpu.vector_load %arg6[%get3A_212, %get3A_213] {strides = array<i32>} : memref<8x64xf32, #tpu.memory_space<vmem>>, vector<1x16xf32>,
    %get3A_215 = vector.shape_cast %get3A_214 : vector<1x16xf32> to vector<16xf32>
    %mul3A_216 = vector.broadcast %select_n3A_210 : f32 to vector<16xf32>
    %mul3A_217 = arith.mulf %get3A_215, %mul3A_216 : vector<16xf32>
    %add3A_218 = arith.addf %add3A_203, %mul3A_217 : vector<16xf32>
    %add3A_219 = arith.constant 6 : i32
    %add3A_220 = arith.addi %mul3A_2, %add3A_219 : i32
    %lt3A_221 = arith.constant 200 : i32
    %lt3A_222 = arith.cmpi slt, %add3A_220, %lt3A_221 : i32
    %jit3A_223 = arith.constant 1.000000e+00 : f32
    %jit3A_224 = arith.constant 0.000000e+00 : f32
    %select_n3A_225 = arith.select %lt3A_222, %jit3A_223, %jit3A_224 : f32
    %get3A_226 = arith.constant 6 : i32
    %get3A_227 = arith.index_cast %get3A_226 : i32 to index
    %get3A_228 = arith.constant 16 : index
    %get3A_229 = tpu.vector_load %arg6[%get3A_227, %get3A_228] {strides = array<i32>} : memref<8x64xf32, #tpu.memory_space<vmem>>, vector<1x16xf32>,
    %get3A_230 = vector.shape_cast %get3A_229 : vector<1x16xf32> to vector<16xf32>
    %mul3A_231 = vector.broadcast %select_n3A_225 : f32 to vector<16xf32>
    %mul3A_232 = arith.mulf %get3A_230, %mul3A_231 : vector<16xf32>
    %add3A_233 = arith.addf %add3A_218, %mul3A_232 : vector<16xf32>
    %add3A_234 = arith.constant 7 : i32
    %add3A_235 = arith.addi %mul3A_2, %add3A_234 : i32
    %lt3A_236 = arith.constant 200 : i32
    %lt3A_237 = arith.cmpi slt, %add3A_235, %lt3A_236 : i32
    %jit3A_238 = arith.constant 1.000000e+00 : f32
    %jit3A_239 = arith.constant 0.000000e+00 : f32
    %select_n3A_240 = arith.select %lt3A_237, %jit3A_238, %jit3A_239 : f32
    %get3A_241 = arith.constant 7 : i32
    %get3A_242 = arith.index_cast %get3A_241 : i32 to index
    %get3A_243 = arith.constant 16 : index
    %get3A_244 = tpu.vector_load %arg6[%get3A_242, %get3A_243] {strides = array<i32>} : memref<8x64xf32, #tpu.memory_space<vmem>>, vector<1x16xf32>,
    %get3A_245 = vector.shape_cast %get3A_244 : vector<1x16xf32> to vector<16xf32>
    %mul3A_246 = vector.broadcast %select_n3A_240 : f32 to vector<16xf32>
    %mul3A_247 = arith.mulf %get3A_245, %mul3A_246 : vector<16xf32>
    %add3A_248 = arith.addf %add3A_233, %mul3A_247 : vector<16xf32>
    %swap3A_249 = arith.constant 16 : index
    %swap3A_250 = tpu.vector_load %arg7[%swap3A_249] {strides = array<i32>} : memref<64xf32, #tpu.memory_space<vmem>>, vector<16xf32>,
    %swap3A_251 = vector.shape_cast %swap3A_250 : vector<16xf32> to vector<16xf32>
    %swap3A_252 = vector.shape_cast %add3A_248 : vector<16xf32> to vector<16xf32>
    tpu.vector_store %arg7[%swap3A_249], %swap3A_252 {strides = array<i32>} : memref<64xf32, #tpu.memory_space<vmem>>, vector<16xf32>,
    %broadcast_in_dim3A_253 = arith.constant 0.000000e+00 : f32
    %broadcast_in_dim3A_254 = vector.broadcast %broadcast_in_dim3A_253 : f32 to vector<16xf32>
    %add3A_255 = arith.constant 0 : i32
    %add3A_256 = arith.addi %mul3A_2, %add3A_255 : i32
    %lt3A_257 = arith.constant 200 : i32
    %lt3A_258 = arith.cmpi slt, %add3A_256, %lt3A_257 : i32
    %jit3A_259 = arith.constant 1.000000e+00 : f32
    %jit3A_260 = arith.constant 0.000000e+00 : f32
    %select_n3A_261 = arith.select %lt3A_258, %jit3A_259, %jit3A_260 : f32
    %get3A_262 = arith.constant 0 : i32
    %get3A_263 = arith.index_cast %get3A_262 : i32 to index
    %get3A_264 = arith.constant 32 : index
    %get3A_265 = tpu.vector_load %arg6[%get3A_263, %get3A_264] {strides = array<i32>} : memref<8x64xf32, #tpu.memory_space<vmem>>, vector<1x16xf32>,
    %get3A_266 = vector.shape_cast %get3A_265 : vector<1x16xf32> to vector<16xf32>
    %mul3A_267 = vector.broadcast %select_n3A_261 : f32 to vector<16xf32>
    %mul3A_268 = arith.mulf %get3A_266, %mul3A_267 : vector<16xf32>
    %add3A_269 = arith.addf %broadcast_in_dim3A_254, %mul3A_268 : vector<16xf32>
    %add3A_270 = arith.constant 1 : i32
    %add3A_271 = arith.addi %mul3A_2, %add3A_270 : i32
    %lt3A_272 = arith.constant 200 : i32
    %lt3A_273 = arith.cmpi slt, %add3A_271, %lt3A_272 : i32
    %jit3A_274 = arith.constant 1.000000e+00 : f32
    %jit3A_275 = arith.constant 0.000000e+00 : f32
    %select_n3A_276 = arith.select %lt3A_273, %jit3A_274, %jit3A_275 : f32
    %get3A_277 = arith.constant 1 : i32
    %get3A_278 = arith.index_cast %get3A_277 : i32 to index
    %get3A_279 = arith.constant 32 : index
    %get3A_280 = tpu.vector_load %arg6[%get3A_278, %get3A_279] {strides = array<i32>} : memref<8x64xf32, #tpu.memory_space<vmem>>, vector<1x16xf32>,
    %get3A_281 = vector.shape_cast %get3A_280 : vector<1x16xf32> to vector<16xf32>
    %mul3A_282 = vector.broadcast %select_n3A_276 : f32 to vector<16xf32>
    %mul3A_283 = arith.mulf %get3A_281, %mul3A_282 : vector<16xf32>
    %add3A_284 = arith.addf %add3A_269, %mul3A_283 : vector<16xf32>
    %add3A_285 = arith.constant 2 : i32
    %add3A_286 = arith.addi %mul3A_2, %add3A_285 : i32
    %lt3A_287 = arith.constant 200 : i32
    %lt3A_288 = arith.cmpi slt, %add3A_286, %lt3A_287 : i32
    %jit3A_289 = arith.constant 1.000000e+00 : f32
    %jit3A_290 = arith.constant 0.000000e+00 : f32
    %select_n3A_291 = arith.select %lt3A_288, %jit3A_289, %jit3A_290 : f32
    %get3A_292 = arith.constant 2 : i32
    %get3A_293 = arith.index_cast %get3A_292 : i32 to index
    %get3A_294 = arith.constant 32 : index
    %get3A_295 = tpu.vector_load %arg6[%get3A_293, %get3A_294] {strides = array<i32>} : memref<8x64xf32, #tpu.memory_space<vmem>>, vector<1x16xf32>,
    %get3A_296 = vector.shape_cast %get3A_295 : vector<1x16xf32> to vector<16xf32>
    %mul3A_297 = vector.broadcast %select_n3A_291 : f32 to vector<16xf32>
    %mul3A_298 = arith.mulf %get3A_296, %mul3A_297 : vector<16xf32>
    %add3A_299 = arith.addf %add3A_284, %mul3A_298 : vector<16xf32>
    %add3A_300 = arith.constant 3 : i32
    %add3A_301 = arith.addi %mul3A_2, %add3A_300 : i32
    %lt3A_302 = arith.constant 200 : i32
    %lt3A_303 = arith.cmpi slt, %add3A_301, %lt3A_302 : i32
    %jit3A_304 = arith.constant 1.000000e+00 : f32
    %jit3A_305 = arith.constant 0.000000e+00 : f32
    %select_n3A_306 = arith.select %lt3A_303, %jit3A_304, %jit3A_305 : f32
    %get3A_307 = arith.constant 3 : i32
    %get3A_308 = arith.index_cast %get3A_307 : i32 to index
    %get3A_309 = arith.constant 32 : index
    %get3A_310 = tpu.vector_load %arg6[%get3A_308, %get3A_309] {strides = array<i32>} : memref<8x64xf32, #tpu.memory_space<vmem>>, vector<1x16xf32>,
    %get3A_311 = vector.shape_cast %get3A_310 : vector<1x16xf32> to vector<16xf32>
    %mul3A_312 = vector.broadcast %select_n3A_306 : f32 to vector<16xf32>
    %mul3A_313 = arith.mulf %get3A_311, %mul3A_312 : vector<16xf32>
    %add3A_314 = arith.addf %add3A_299, %mul3A_313 : vector<16xf32>
    %add3A_315 = arith.constant 4 : i32
    %add3A_316 = arith.addi %mul3A_2, %add3A_315 : i32
    %lt3A_317 = arith.constant 200 : i32
    %lt3A_318 = arith.cmpi slt, %add3A_316, %lt3A_317 : i32
    %jit3A_319 = arith.constant 1.000000e+00 : f32
    %jit3A_320 = arith.constant 0.000000e+00 : f32
    %select_n3A_321 = arith.select %lt3A_318, %jit3A_319, %jit3A_320 : f32
    %get3A_322 = arith.constant 4 : i32
    %get3A_323 = arith.index_cast %get3A_322 : i32 to index
    %get3A_324 = arith.constant 32 : index
    %get3A_325 = tpu.vector_load %arg6[%get3A_323, %get3A_324] {strides = array<i32>} : memref<8x64xf32, #tpu.memory_space<vmem>>, vector<1x16xf32>,
    %get3A_326 = vector.shape_cast %get3A_325 : vector<1x16xf32> to vector<16xf32>
    %mul3A_327 = vector.broadcast %select_n3A_321 : f32 to vector<16xf32>
    %mul3A_328 = arith.mulf %get3A_326, %mul3A_327 : vector<16xf32>
    %add3A_329 = arith.addf %add3A_314, %mul3A_328 : vector<16xf32>
    %add3A_330 = arith.constant 5 : i32
    %add3A_331 = arith.addi %mul3A_2, %add3A_330 : i32
    %lt3A_332 = arith.constant 200 : i32
    %lt3A_333 = arith.cmpi slt, %add3A_331, %lt3A_332 : i32
    %jit3A_334 = arith.constant 1.000000e+00 : f32
    %jit3A_335 = arith.constant 0.000000e+00 : f32
    %select_n3A_336 = arith.select %lt3A_333, %jit3A_334, %jit3A_335 : f32
    %get3A_337 = arith.constant 5 : i32
    %get3A_338 = arith.index_cast %get3A_337 : i32 to index
    %get3A_339 = arith.constant 32 : index
    %get3A_340 = tpu.vector_load %arg6[%get3A_338, %get3A_339] {strides = array<i32>} : memref<8x64xf32, #tpu.memory_space<vmem>>, vector<1x16xf32>,
    %get3A_341 = vector.shape_cast %get3A_340 : vector<1x16xf32> to vector<16xf32>
    %mul3A_342 = vector.broadcast %select_n3A_336 : f32 to vector<16xf32>
    %mul3A_343 = arith.mulf %get3A_341, %mul3A_342 : vector<16xf32>
    %add3A_344 = arith.addf %add3A_329, %mul3A_343 : vector<16xf32>
    %add3A_345 = arith.constant 6 : i32
    %add3A_346 = arith.addi %mul3A_2, %add3A_345 : i32
    %lt3A_347 = arith.constant 200 : i32
    %lt3A_348 = arith.cmpi slt, %add3A_346, %lt3A_347 : i32
    %jit3A_349 = arith.constant 1.000000e+00 : f32
    %jit3A_350 = arith.constant 0.000000e+00 : f32
    %select_n3A_351 = arith.select %lt3A_348, %jit3A_349, %jit3A_350 : f32
    %get3A_352 = arith.constant 6 : i32
    %get3A_353 = arith.index_cast %get3A_352 : i32 to index
    %get3A_354 = arith.constant 32 : index
    %get3A_355 = tpu.vector_load %arg6[%get3A_353, %get3A_354] {strides = array<i32>} : memref<8x64xf32, #tpu.memory_space<vmem>>, vector<1x16xf32>,
    %get3A_356 = vector.shape_cast %get3A_355 : vector<1x16xf32> to vector<16xf32>
    %mul3A_357 = vector.broadcast %select_n3A_351 : f32 to vector<16xf32>
    %mul3A_358 = arith.mulf %get3A_356, %mul3A_357 : vector<16xf32>
    %add3A_359 = arith.addf %add3A_344, %mul3A_358 : vector<16xf32>
    %add3A_360 = arith.constant 7 : i32
    %add3A_361 = arith.addi %mul3A_2, %add3A_360 : i32
    %lt3A_362 = arith.constant 200 : i32
    %lt3A_363 = arith.cmpi slt, %add3A_361, %lt3A_362 : i32
    %jit3A_364 = arith.constant 1.000000e+00 : f32
    %jit3A_365 = arith.constant 0.000000e+00 : f32
    %select_n3A_366 = arith.select %lt3A_363, %jit3A_364, %jit3A_365 : f32
    %get3A_367 = arith.constant 7 : i32
    %get3A_368 = arith.index_cast %get3A_367 : i32 to index
    %get3A_369 = arith.constant 32 : index
    %get3A_370 = tpu.vector_load %arg6[%get3A_368, %get3A_369] {strides = array<i32>} : memref<8x64xf32, #tpu.memory_space<vmem>>, vector<1x16xf32>,
    %get3A_371 = vector.shape_cast %get3A_370 : vector<1x16xf32> to vector<16xf32>
    %mul3A_372 = vector.broadcast %select_n3A_366 : f32 to vector<16xf32>
    %mul3A_373 = arith.mulf %get3A_371, %mul3A_372 : vector<16xf32>
    %add3A_374 = arith.addf %add3A_359, %mul3A_373 : vector<16xf32>
    %swap3A_375 = arith.constant 32 : index
    %swap3A_376 = tpu.vector_load %arg7[%swap3A_375] {strides = array<i32>} : memref<64xf32, #tpu.memory_space<vmem>>, vector<16xf32>,
    %swap3A_377 = vector.shape_cast %swap3A_376 : vector<16xf32> to vector<16xf32>
    %swap3A_378 = vector.shape_cast %add3A_374 : vector<16xf32> to vector<16xf32>
    tpu.vector_store %arg7[%swap3A_375], %swap3A_378 {strides = array<i32>} : memref<64xf32, #tpu.memory_space<vmem>>, vector<16xf32>,
    %broadcast_in_dim3A_379 = arith.constant 0.000000e+00 : f32
    %broadcast_in_dim3A_380 = vector.broadcast %broadcast_in_dim3A_379 : f32 to vector<16xf32>
    %add3A_381 = arith.constant 0 : i32
    %add3A_382 = arith.addi %mul3A_2, %add3A_381 : i32
    %lt3A_383 = arith.constant 200 : i32
    %lt3A_384 = arith.cmpi slt, %add3A_382, %lt3A_383 : i32
    %jit3A_385 = arith.constant 1.000000e+00 : f32
    %jit3A_386 = arith.constant 0.000000e+00 : f32
    %select_n3A_387 = arith.select %lt3A_384, %jit3A_385, %jit3A_386 : f32
    %get3A_388 = arith.constant 0 : i32
    %get3A_389 = arith.index_cast %get3A_388 : i32 to index
    %get3A_390 = arith.constant 48 : index
    %get3A_391 = tpu.vector_load %arg6[%get3A_389, %get3A_390] {strides = array<i32>} : memref<8x64xf32, #tpu.memory_space<vmem>>, vector<1x16xf32>,
    %get3A_392 = vector.shape_cast %get3A_391 : vector<1x16xf32> to vector<16xf32>
    %mul3A_393 = vector.broadcast %select_n3A_387 : f32 to vector<16xf32>
    %mul3A_394 = arith.mulf %get3A_392, %mul3A_393 : vector<16xf32>
    %add3A_395 = arith.addf %broadcast_in_dim3A_380, %mul3A_394 : vector<16xf32>
    %add3A_396 = arith.constant 1 : i32
    %add3A_397 = arith.addi %mul3A_2, %add3A_396 : i32
    %lt3A_398 = arith.constant 200 : i32
    %lt3A_399 = arith.cmpi slt, %add3A_397, %lt3A_398 : i32
    %jit3A_400 = arith.constant 1.000000e+00 : f32
    %jit3A_401 = arith.constant 0.000000e+00 : f32
    %select_n3A_402 = arith.select %lt3A_399, %jit3A_400, %jit3A_401 : f32
    %get3A_403 = arith.constant 1 : i32
    %get3A_404 = arith.index_cast %get3A_403 : i32 to index
    %get3A_405 = arith.constant 48 : index
    %get3A_406 = tpu.vector_load %arg6[%get3A_404, %get3A_405] {strides = array<i32>} : memref<8x64xf32, #tpu.memory_space<vmem>>, vector<1x16xf32>,
    %get3A_407 = vector.shape_cast %get3A_406 : vector<1x16xf32> to vector<16xf32>
    %mul3A_408 = vector.broadcast %select_n3A_402 : f32 to vector<16xf32>
    %mul3A_409 = arith.mulf %get3A_407, %mul3A_408 : vector<16xf32>
    %add3A_410 = arith.addf %add3A_395, %mul3A_409 : vector<16xf32>
    %add3A_411 = arith.constant 2 : i32
    %add3A_412 = arith.addi %mul3A_2, %add3A_411 : i32
    %lt3A_413 = arith.constant 200 : i32
    %lt3A_414 = arith.cmpi slt, %add3A_412, %lt3A_413 : i32
    %jit3A_415 = arith.constant 1.000000e+00 : f32
    %jit3A_416 = arith.constant 0.000000e+00 : f32
    %select_n3A_417 = arith.select %lt3A_414, %jit3A_415, %jit3A_416 : f32
    %get3A_418 = arith.constant 2 : i32
    %get3A_419 = arith.index_cast %get3A_418 : i32 to index
    %get3A_420 = arith.constant 48 : index
    %get3A_421 = tpu.vector_load %arg6[%get3A_419, %get3A_420] {strides = array<i32>} : memref<8x64xf32, #tpu.memory_space<vmem>>, vector<1x16xf32>,
    %get3A_422 = vector.shape_cast %get3A_421 : vector<1x16xf32> to vector<16xf32>
    %mul3A_423 = vector.broadcast %select_n3A_417 : f32 to vector<16xf32>
    %mul3A_424 = arith.mulf %get3A_422, %mul3A_423 : vector<16xf32>
    %add3A_425 = arith.addf %add3A_410, %mul3A_424 : vector<16xf32>
    %add3A_426 = arith.constant 3 : i32
    %add3A_427 = arith.addi %mul3A_2, %add3A_426 : i32
    %lt3A_428 = arith.constant 200 : i32
    %lt3A_429 = arith.cmpi slt, %add3A_427, %lt3A_428 : i32
    %jit3A_430 = arith.constant 1.000000e+00 : f32
    %jit3A_431 = arith.constant 0.000000e+00 : f32
    %select_n3A_432 = arith.select %lt3A_429, %jit3A_430, %jit3A_431 : f32
    %get3A_433 = arith.constant 3 : i32
    %get3A_434 = arith.index_cast %get3A_433 : i32 to index
    %get3A_435 = arith.constant 48 : index
    %get3A_436 = tpu.vector_load %arg6[%get3A_434, %get3A_435] {strides = array<i32>} : memref<8x64xf32, #tpu.memory_space<vmem>>, vector<1x16xf32>,
    %get3A_437 = vector.shape_cast %get3A_436 : vector<1x16xf32> to vector<16xf32>
    %mul3A_438 = vector.broadcast %select_n3A_432 : f32 to vector<16xf32>
    %mul3A_439 = arith.mulf %get3A_437, %mul3A_438 : vector<16xf32>
    %add3A_440 = arith.addf %add3A_425, %mul3A_439 : vector<16xf32>
    %add3A_441 = arith.constant 4 : i32
    %add3A_442 = arith.addi %mul3A_2, %add3A_441 : i32
    %lt3A_443 = arith.constant 200 : i32
    %lt3A_444 = arith.cmpi slt, %add3A_442, %lt3A_443 : i32
    %jit3A_445 = arith.constant 1.000000e+00 : f32
    %jit3A_446 = arith.constant 0.000000e+00 : f32
    %select_n3A_447 = arith.select %lt3A_444, %jit3A_445, %jit3A_446 : f32
    %get3A_448 = arith.constant 4 : i32
    %get3A_449 = arith.index_cast %get3A_448 : i32 to index
    %get3A_450 = arith.constant 48 : index
    %get3A_451 = tpu.vector_load %arg6[%get3A_449, %get3A_450] {strides = array<i32>} : memref<8x64xf32, #tpu.memory_space<vmem>>, vector<1x16xf32>,
    %get3A_452 = vector.shape_cast %get3A_451 : vector<1x16xf32> to vector<16xf32>
    %mul3A_453 = vector.broadcast %select_n3A_447 : f32 to vector<16xf32>
    %mul3A_454 = arith.mulf %get3A_452, %mul3A_453 : vector<16xf32>
    %add3A_455 = arith.addf %add3A_440, %mul3A_454 : vector<16xf32>
    %add3A_456 = arith.constant 5 : i32
    %add3A_457 = arith.addi %mul3A_2, %add3A_456 : i32
    %lt3A_458 = arith.constant 200 : i32
    %lt3A_459 = arith.cmpi slt, %add3A_457, %lt3A_458 : i32
    %jit3A_460 = arith.constant 1.000000e+00 : f32
    %jit3A_461 = arith.constant 0.000000e+00 : f32
    %select_n3A_462 = arith.select %lt3A_459, %jit3A_460, %jit3A_461 : f32
    %get3A_463 = arith.constant 5 : i32
    %get3A_464 = arith.index_cast %get3A_463 : i32 to index
    %get3A_465 = arith.constant 48 : index
    %get3A_466 = tpu.vector_load %arg6[%get3A_464, %get3A_465] {strides = array<i32>} : memref<8x64xf32, #tpu.memory_space<vmem>>, vector<1x16xf32>,
    %get3A_467 = vector.shape_cast %get3A_466 : vector<1x16xf32> to vector<16xf32>
    %mul3A_468 = vector.broadcast %select_n3A_462 : f32 to vector<16xf32>
    %mul3A_469 = arith.mulf %get3A_467, %mul3A_468 : vector<16xf32>
    %add3A_470 = arith.addf %add3A_455, %mul3A_469 : vector<16xf32>
    %add3A_471 = arith.constant 6 : i32
    %add3A_472 = arith.addi %mul3A_2, %add3A_471 : i32
    %lt3A_473 = arith.constant 200 : i32
    %lt3A_474 = arith.cmpi slt, %add3A_472, %lt3A_473 : i32
    %jit3A_475 = arith.constant 1.000000e+00 : f32
    %jit3A_476 = arith.constant 0.000000e+00 : f32
    %select_n3A_477 = arith.select %lt3A_474, %jit3A_475, %jit3A_476 : f32
    %get3A_478 = arith.constant 6 : i32
    %get3A_479 = arith.index_cast %get3A_478 : i32 to index
    %get3A_480 = arith.constant 48 : index
    %get3A_481 = tpu.vector_load %arg6[%get3A_479, %get3A_480] {strides = array<i32>} : memref<8x64xf32, #tpu.memory_space<vmem>>, vector<1x16xf32>,
    %get3A_482 = vector.shape_cast %get3A_481 : vector<1x16xf32> to vector<16xf32>
    %mul3A_483 = vector.broadcast %select_n3A_477 : f32 to vector<16xf32>
    %mul3A_484 = arith.mulf %get3A_482, %mul3A_483 : vector<16xf32>
    %add3A_485 = arith.addf %add3A_470, %mul3A_484 : vector<16xf32>
    %add3A_486 = arith.constant 7 : i32
    %add3A_487 = arith.addi %mul3A_2, %add3A_486 : i32
    %lt3A_488 = arith.constant 200 : i32
    %lt3A_489 = arith.cmpi slt, %add3A_487, %lt3A_488 : i32
    %jit3A_490 = arith.constant 1.000000e+00 : f32
    %jit3A_491 = arith.constant 0.000000e+00 : f32
    %select_n3A_492 = arith.select %lt3A_489, %jit3A_490, %jit3A_491 : f32
    %get3A_493 = arith.constant 7 : i32
    %get3A_494 = arith.index_cast %get3A_493 : i32 to index
    %get3A_495 = arith.constant 48 : index
    %get3A_496 = tpu.vector_load %arg6[%get3A_494, %get3A_495] {strides = array<i32>} : memref<8x64xf32, #tpu.memory_space<vmem>>, vector<1x16xf32>,
    %get3A_497 = vector.shape_cast %get3A_496 : vector<1x16xf32> to vector<16xf32>
    %mul3A_498 = vector.broadcast %select_n3A_492 : f32 to vector<16xf32>
    %mul3A_499 = arith.mulf %get3A_497, %mul3A_498 : vector<16xf32>
    %add3A_500 = arith.addf %add3A_485, %mul3A_499 : vector<16xf32>
    %swap3A_501 = arith.constant 48 : index
    %swap3A_502 = tpu.vector_load %arg7[%swap3A_501] {strides = array<i32>} : memref<64xf32, #tpu.memory_space<vmem>>, vector<16xf32>,
    %swap3A_503 = vector.shape_cast %swap3A_502 : vector<16xf32> to vector<16xf32>
    %swap3A_504 = vector.shape_cast %add3A_500 : vector<16xf32> to vector<16xf32>
    tpu.vector_store %arg7[%swap3A_501], %swap3A_504 {strides = array<i32>} : memref<64xf32, #tpu.memory_space<vmem>>, vector<16xf32>,
    "tpu.region"() ({
      %run_scoped3A = tpu.sem_alloc : memref<!tpu.dma_semaphore, #tpu.memory_space<semaphore_mem>>
      %dma_start3A_505 = arith.constant 0 : i32
      %dma_start3A_506 = tpu.memref_slice %arg4[%add3A, %dma_start3A_505] : memref<32x64xf32, #tpu.memory_space<hbm>> -> memref<1x64xf32, #tpu.memory_space<hbm>>
      %dma_start3A_507 = tpu.memref_squeeze %dma_start3A_506 : memref<1x64xf32, #tpu.memory_space<hbm>> -> memref<64xf32, #tpu.memory_space<hbm>>
      %dma_start3A_508 = arith.constant 0 : i32
      %dma_start3A_509 = tpu.memref_slice %arg4[%add3A, %dma_start3A_508] : memref<32x64xf32, #tpu.memory_space<hbm>> -> memref<1x64xf32, #tpu.memory_space<hbm>>
      %dma_start3A_510 = tpu.memref_squeeze %dma_start3A_509 : memref<1x64xf32, #tpu.memory_space<hbm>> -> memref<64xf32, #tpu.memory_space<hbm>>
      tpu.enqueue_dma source(%arg7 : memref<64xf32, #tpu.memory_space<vmem>>) target(%dma_start3A_510 : memref<64xf32, #tpu.memory_space<hbm>>) target_semaphore(%run_scoped3A : memref<!tpu.dma_semaphore, #tpu.memory_space<semaphore_mem>>)
      %dma_wait3A_511 = arith.constant 0 : i32
      %dma_wait3A_512 = tpu.memref_slice %arg4[%add3A, %dma_wait3A_511] : memref<32x64xf32, #tpu.memory_space<hbm>> -> memref<1x64xf32, #tpu.memory_space<hbm>>
      %dma_wait3A_513 = tpu.memref_squeeze %dma_wait3A_512 : memref<1x64xf32, #tpu.memory_space<hbm>> -> memref<64xf32, #tpu.memory_space<hbm>>
      %dma_wait3A_514 = arith.constant 0 : i32
      %dma_wait3A_515 = tpu.memref_slice %arg4[%add3A, %dma_wait3A_514] : memref<32x64xf32, #tpu.memory_space<hbm>> -> memref<1x64xf32, #tpu.memory_space<hbm>>
      %dma_wait3A_516 = tpu.memref_squeeze %dma_wait3A_515 : memref<1x64xf32, #tpu.memory_space<hbm>> -> memref<64xf32, #tpu.memory_space<hbm>>
      tpu.wait_dma2 semaphore(%run_scoped3A : memref<!tpu.dma_semaphore, #tpu.memory_space<semaphore_mem>>) src(%arg7 : memref<64xf32, #tpu.memory_space<vmem>>) dst(%dma_wait3A_516 : memref<64xf32, #tpu.memory_space<hbm>>)
      tpu.yield
    }) : () -> ()
    return
  }
}

module attributes {stable_mosaic.version = 14 : i64} {
  func.func @_tc_matvec(%arg0: i32, %arg1: memref<32x64xf32, #tpu.memory_space<vmem>>, %arg2: memref<16384x64xf32, #tpu.memory_space<vmem>>, %arg3: memref<16384xf32, #tpu.memory_space<vmem>>, %arg4: memref<16384xf32, #tpu.memory_space<vmem>>) attributes {dimension_semantics = [#tpu.dimension_semantics<arbitrary>], iteration_bounds = array<i64: 62>, scalar_prefetch = 0 : i64, scratch_operands = 0 : i64, tpu.core_type = #tpu.core_type<tc>, window_params = [{pipeline_mode = #tpu.pipeline_mode<synchronous>, transform_indices = @transform_0, window_bounds = array<i64: 32, 64>}, {transform_indices = @transform_1, window_bounds = array<i64: 16384, 64>}, {transform_indices = @transform_2, window_bounds = array<i64: 16384>}, {transform_indices = @transform_3, window_bounds = array<i64: 16384>}]} {
    %get3A = arith.constant 0 : index
    %get3A_0 = arith.constant 0 : index
    %get3A_1 = vector.load %arg1[%get3A, %get3A_0] : memref<32x64xf32, #tpu.memory_space<vmem>>, vector<32x64xf32>
    %reduce_sum3A = arith.constant dense<0.000000e+00> : vector<64xf32>
    %reduce_sum3A_2 = vector.multi_reduction <add>, %get3A_1, %reduce_sum3A [0] : vector<32x64xf32> to vector<64xf32>
    %broadcast_in_dim3A = vector.shape_cast %reduce_sum3A_2 : vector<64xf32> to vector<1x64xf32>
    %get3A_3 = arith.constant 0 : index
    %get3A_4 = arith.constant 0 : index
    %get3A_5 = vector.load %arg2[%get3A_3, %get3A_4] : memref<16384x64xf32, #tpu.memory_space<vmem>>, vector<16384x64xf32>
    %dot_general3A = arith.constant dense<0.000000e+00> : vector<1x16384xf32>
    %dot_general3A_6 = tpu.matmul %broadcast_in_dim3A, %get3A_5, %dot_general3A {dimension_numbers = #tpu.dot_dimension_numbers<[1], [1], [0], [0], [0, 0, 1, 0], [], []>, transpose_lhs_hint = false} : vector<1x64xf32>, vector<16384x64xf32>, vector<1x16384xf32> -> vector<1x16384xf32>
    %squeeze3A = vector.shape_cast %dot_general3A_6 : vector<1x16384xf32> to vector<16384xf32>
    %get3A_7 = arith.constant 0 : index
    %get3A_8 = vector.load %arg3[%get3A_7] : memref<16384xf32, #tpu.memory_space<vmem>>, vector<16384xf32>
    %add3A = arith.addf %squeeze3A, %get3A_8 : vector<16384xf32>
    %swap3A = arith.constant 0 : index
    %swap3A_9 = vector.load %arg4[%swap3A] : memref<16384xf32, #tpu.memory_space<vmem>>, vector<16384xf32>
    tpu.vector_store %arg4[%swap3A], %add3A {strides = array<i32>} : memref<16384xf32, #tpu.memory_space<vmem>>, vector<16384xf32>,
    return
  }
  func.func @transform_0(%arg0: i32) -> (i32, i32) {
    %c0_i32 = arith.constant 0 : i32
    %c0_i32_0 = arith.constant 0 : i32
    %c0_i32_1 = arith.constant 0 : i32
    return %c0_i32, %c0_i32_0 : i32, i32
  }
  func.func @transform_1(%arg0: i32) -> (i32, i32) {
    %c0_i32 = arith.constant 0 : i32
    %c0_i32_0 = arith.constant 0 : i32
    return %arg0, %c0_i32 : i32, i32
  }
  func.func @transform_2(%arg0: i32) -> i32 {
    %c0_i32 = arith.constant 0 : i32
    return %arg0 : i32
  }
  func.func @transform_3(%arg0: i32) -> i32 {
    %c0_i32 = arith.constant 0 : i32
    return %arg0 : i32
  }
}

</mosaic_0001>

<sc_bundles>
// kernel: kernel.4.cloned.1.call-start
scs
__scs_entry_jumppad:
0x0: {  	(pc) =	sbr.rel $0x88, $3  }
0x1: {  	(tag) =	ssettag $0x0;
	lr =	simm.s32 $0x1  }
0x2: {  	[smem:$0x3F9D] =	sst lr;
	_ =	strace $0xD0000000  }
0x3: {  	_ = 	snop  }
0x4: {  	_ = 	snop  }
0x5: {  	_ = 	snop  }
0x6: {  	_ = 	snop  }
0x7: {  	_ = 	snop  }
__scs_overlays_trampoline_lowered:
0x8: {  	[smem:$0x3FAC] =	sst s0  }
0x9: {  	[smem:$0x3FAD] =	sst s1  }
0xa: {  	[smem:$0x3FAE] =	sst s2  }
0xb: {  	[smem:$0x3FAF] =	sst s3  }
0xc: {  	[smem:$0x3FB0] =	sst s4  }
0xd: {  	[smem:$0x3FB1] =	sst s5  }
0xe: {  	[smem:$0x3FB2] =	sst s6  }
0xf: {  	[smem:$0x3FB3] =	sst s7  }
0x10: {  	[smem:$0x3FB4] =	sst s8  }
0x11: {  	[smem:$0x3FB5] =	sst s9;
	s0 =	simm.s32 @!p0 $0x0  }
0x12: {  	s1 =	sld [smem:$0x3F9B];
	s0 =	simm.s32 @p0 $0x1  }
0x13: {  	[smem:$0x3FB6] =	sst s0;
	s0 =	simm.s32 @!p1 $0x0  }
0x14: {  	s2 =	sld [smem:$0x3F9A];
	s0 =	simm.s32 @p1 $0x1  }
0x15: {  	[smem:$0x3FB7] =	sst s0;
	s0 =	simm.s32 @!p2 $0x0  }
0x16: {  	s3 =	sld [smem:$0x3FDB];
	s0 =	simm.s32 @p2 $0x1  }
0x17: {  	s4 =	simm.s32 $0x1BF5;
	[smem:$0x3FB9] =	sst s0  }
0x18: {  	s0 =	sld [smem:$0x3F9C];
	_ =	swait.ge [sflag:s4], $0x0  }
0x19: {  	s7 =	sld [smem:$0x3F9D]  }
0x1a: {  	s8 =	sadd.s32 $0xFFFFE003, lr  }
0x1b: {  	s9 =	sadd.s32 $0xFFFFFEF7, lr;
	s5 =	simm.s32 $0xFFFFFFFF;
	p2 =	slt.u32 s8, $0xFFFFF086  }
0x1c: {  	p1 =	slt.u32 s9, $0xF7A;
	s5 =	simm.s32 @!p2 $0x0  }
0x1d: {  	s5 =	simm.s32 @p1 $0x1;
	p0 =	seq.s32 s7, s2  }
0x1e: {  	s7 =	smul.u32 @!p0 $0xF7A, s2;
	p2 =	seq.s32 @!p0 s5, $0x0  }
0x1f: {  	s9 =	smul.u32 $0xF7A, s1;
	s8 =	simm.s32 @!p0 $0x1BF5;
	p2 =	por !p2, p0  }
0x20: {  	[sflag:s8] =	ssyncset.s32 @!p0 $0xFFFFF086;
	s6 =	sadd.s32 @!p0 s3, s7;
	s7 =	simm.s32 @!p0 $0x108  }
0x21: {  	s3 =	sadd.s32 s3, s9;
	s6 =	sadd.s32 @!p0 $0x88, s6;
	s7 =	simm.s32 @p2 $0x1082  }
0x22: {  	[simem:s7], [sflag:s8] =	dma.local @!p0 [hbm:s6], $0xF7A  }
0x23: {  	s9 =	sor.u32 $0xD0000000, s2;
	s6 =	simm.s32 $0x108;
	_ =	swait.ge @!p0 [sflag:s8], $0x0  }
0x24: {  	s3 =	sadd.s32 $0x88, s3;
	s6 =	simm.s32 @!p1 $0x1082;
	[sflag:s4] =	ssyncset.s32 $0xFFFFF086  }
0x25: {  	[simem:s6], [sflag:s4] =	dma.local [hbm:s3], $0xF7A  }
0x26: {  	[smem:$0x3F9D] =	sst s1;
	(tag) =	ssettag s2;
	_ =	strace s9  }
0x27: {  	s1 =	sld [smem:$0x3FAD]  }
0x28: {  	s2 =	sld [smem:$0x3FAE]  }
0x29: {  	s4 =	sld [smem:$0x3FB0]  }
0x2a: {  	p0 =	seq.s32 s5, $0x0;
	s5 =	sld [smem:$0x3FB1]  }
0x2b: {  	s6 =	sld [smem:$0x3FB2]  }
0x2c: {  	s7 =	sld [smem:$0x3FB3]  }
0x2d: {  	s3 =	simm.s32 $0x108;
	s8 =	sld [smem:$0x3FB4]  }
0x2e: {  	s3 =	simm.s32 @!p0 $0x1082;
	s9 =	sld [smem:$0x3FB5]  }
0x2f: {  	lr =	sadd.s32 s0, s3;
	s0 =	sld [smem:$0x3FAC]  }
0x30: {  	s3 =	sld [smem:$0x3FAF]  }
0x31: {  	[smem:$0x3FB8] =	sst s10  }
0x32: {  	s10 =	sld [smem:$0x3FB6];
	_ =	sdelay $0x3  }
0x33: {  	p0 =	seq.s32 s10, $0x1;
	s10 =	sld [smem:$0x3FB8];
	_ =	sdelay $0x3  }
0x34: {  	[smem:$0x3FB8] =	sst s10  }
0x35: {  	s10 =	sld [smem:$0x3FB7];
	_ =	sdelay $0x3  }
0x36: {  	p1 =	seq.s32 s10, $0x1;
	s10 =	sld [smem:$0x3FB8];
	_ =	sdelay $0x3  }
0x37: {  	[smem:$0x3FB8] =	sst s10  }
0x38: {  	s10 =	sld [smem:$0x3FB9]  }
0x39: {  	_ = 	snop;
	(pc) =	sbr.ind lr, $3  }
0x3a: {  	_ = 	snop  }
0x3b: {  	_ = 	snop  }
0x3c: {  	p2 =	seq.s32 s10, $0x1;
	s10 =	sld [smem:$0x3FB8]  }
0x3d: {  	_ =	shalt  }
0x3e: {  	_ =	shalt  }
0x3f: {  	_ =	shalt  }
0x40: {  	_ =	shalt  }
0x41: {  	_ =	shalt  }
0x42: {  	_ =	shalt  }
0x43: {  	_ =	shalt  }
0x44: {  	_ =	shalt  }
0x45: {  	_ =	shalt  }
0x46: {  	_ =	shalt  }
0x47: {  	_ =	shalt  }
0x48: {  	_ =	shalt  }
0x49: {  	_ =	shalt  }
0x4a: {  	_ =	shalt  }
0x4b: {  	_ =	shalt  }
0x4c: {  	_ =	shalt  }
0x4d: {  	_ =	shalt  }
0x4e: {  	_ =	shalt  }
0x4f: {  	_ =	shalt  }
0x50: {  	_ =	shalt  }
0x51: {  	_ =	shalt  }
0x52: {  	_ =	shalt  }
0x53: {  	_ =	shalt  }
0x54: {  	_ =	shalt  }
0x55: {  	_ =	shalt  }
0x56: {  	_ =	shalt  }
0x57: {  	_ =	shalt  }
0x58: {  	_ =	shalt  }
0x59: {  	_ =	shalt  }
0x5a: {  	_ =	shalt  }
0x5b: {  	_ =	shalt  }
0x5c: {  	_ =	shalt  }
0x5d: {  	_ =	shalt  }
0x5e: {  	_ =	shalt  }
0x5f: {  	_ =	shalt  }
0x60: {  	_ =	shalt  }
0x61: {  	_ =	shalt  }
0x62: {  	_ =	shalt  }
0x63: {  	_ =	shalt  }
0x64: {  	_ =	shalt  }
0x65: {  	_ =	shalt  }
0x66: {  	_ =	shalt  }
0x67: {  	_ =	shalt  }
0x68: {  	_ =	shalt  }
0x69: {  	_ =	shalt  }
0x6a: {  	_ =	shalt  }
0x6b: {  	_ =	shalt  }
0x6c: {  	_ =	shalt  }
0x6d: {  	_ =	shalt  }
0x6e: {  	_ =	shalt  }
0x6f: {  	_ =	shalt  }
0x70: {  	_ =	shalt  }
0x71: {  	_ =	shalt  }
0x72: {  	_ =	shalt  }
0x73: {  	_ =	shalt  }
0x74: {  	_ =	shalt  }
0x75: {  	_ =	shalt  }
0x76: {  	_ =	shalt  }
0x77: {  	_ =	shalt  }
0x78: {  	_ =	shalt  }
0x79: {  	_ =	shalt  }
0x7a: {  	_ =	shalt  }
0x7b: {  	_ =	shalt  }
0x7c: {  	_ =	shalt  }
0x7d: {  	_ =	shalt  }
0x7e: {  	_ =	shalt  }
0x7f: {  	_ =	shalt  }
0x80: {  	_ =	shalt  }
0x81: {  	_ =	shalt  }
0x82: {  	_ =	shalt  }
0x83: {  	_ =	shalt  }
0x84: {  	_ =	shalt  }
0x85: {  	_ =	shalt  }
0x86: {  	_ =	shalt  }
0x87: {  	_ =	shalt  }
.Lfunc_end0:
.L_simem_size_0:
called_computation_lowered:
.L_overlay_start_0:
0x88: {  	s2 =	sld [smem:$0x3FD9]  }
0x89: {  	s3 =	sld [smem:$0x3FFE];
	_ =	sdelay $0x1  }
0x8a: {  	s1 =	srdreg.scid  }
0x8b: {  	s0 =	sand.u32 $0x1, s1  }
0x8c: {  	s17 =	sshll.u32 s0, $0xA;
	s2 =	sadd.s32 s3, s2  }
0x8d: {  	s2 =	sadd.s32 s2, s17  }
0x8e: {  	[smem:$0x3FC4] =	sst s2  }
0x8f: {  	_ = 	snop  }
0x90: {  	s2 =	sld [smem:$0x3FD0];
	(tm) =	ssettm $0x1  }
0x91: {  	s18 =	sld [smem:$0x3FFB];
	_ =	sdelay $0x3  }
0x92: {  	_ =	strace s18  }
0x93: {  	s3 =	sld [smem:$0x3FFC];
	_ =	sdelay $0x3  }
0x94: {  	_ =	strace s3  }
0x95: {  	s3 =	sld [smem:$0x3FFD];
	_ =	sdelay $0x3  }
0x96: {  	_ =	strace s3  }
0x97: {  	_ =	strace $0x8FFFFFFF  }
0x98: {  	s19 =	sld [smem:$0x3FDB];
	_ =	sdelay $0x1  }
0x99: {  	s4 =	simm.s32 $_scs_section_size  }
0x9a: {  	s5 =	simm.s32 $_size__tile_overlayer_lowered;
	s6 =	simm.s32 $_tile_overlayer_lowered  }
0x9b: {  	s22 =	simm.s32 $0x1BFF;
	s21 =	sshll.u32 s6, $0x1;
	s3 =	sadd.s32 s4, s19  }
0x9c: {  	s7 =	simm.s32 $0x0;
	s20 =	sshll.u32 s5, $0x1;
	s5 =	sadd.s32 s21, s3  }
0x9d: {  	[timem:s7], [sflag:s22] =	dma.local [hbm:s5], s20  }
0x9e: {  	_ =	swait.ge [sflag:s22], s20  }
0x9f: {  	s4 =	ssub.s32 $0x0, s20;
	[sflag:s22] =	ssyncset.done $0x0  }
0xa0: {  	[sflag:s22] =	ssyncadd.s32 s4;
	_ =	sdelay $0x1  }
0xa1: {  	s23 =	simm.s32 $0x1B8B  }
0xa2: {  	_ =	swait.ge [sflag:s23], $0x1  }
0xa3: {  	[sflag:s23] =	ssyncset.done $0x0  }
0xa4: {  	s25 =	simm.s32 $0x1B8E;
	s24 =	sld [smem:$0x3FFE];
	[sflag:s23] =	ssyncadd.s32 $0xFFFFFFFF  }
0xa5: {  	s26 =	simm.s32 $execute0_lowered;
	[smem:$0x3FD2] =	sst s25  }
0xa6: {  	s5 =	sshll.u32 s26, $0x1;
	_ =	strace $0x80000046;
	[dreg:$0x1] =	wrdreg $0xFFFFFFFF  }
0xa7: {  	s28 =	simm.s32 $_size_execute0_lowered;
	s3 =	sadd.s32 s3, s5;
	[dreg:$0x0] =	wrdreg $0x0  }
0xa8: {  	s5 =	sshll.u32 s28, $0x1;
	[dreg:$0x2] =	wrdreg s3  }
0xa9: {  	[dreg:$0x3] =	wrdreg s5  }
0xaa: {  	[dreg:$0x4] =	wrdreg $0xC0  }
0xab: {  	_ =	task [dreg:s7], $0x5FFFF  }
0xac: {  	[dreg:$0x1] =	wrdreg $0xFFFFFFFF  }
0xad: {  	[dreg:$0x0] =	wrdreg $0x60  }
0xae: {  	[dreg:$0x2] =	wrdreg s24  }
0xaf: {  	[dreg:$0x3] =	wrdreg s2  }
0xb0: {  	[dreg:$0x4] =	wrdreg $0x9  }
0xb1: {  	_ =	task.clear_ibuf [dreg:s7], $0x5FFFF;
	_ =	strace $0x90000046  }
0xb2: {  	s29 =	simm.s32 $0x9;
	_ =	strace $0x80000048  }
0xb3: {  	_ =	swait.ge [sflag:s29], $0x1  }
0xb4: {  	[sflag:s29] =	ssyncadd.s32 $0xFFFFFFFF  }
0xb5: {  	_ =	strace $0x90000048  }
0xb6: {  	_ =	sfence  }
0xb7: {  	s30 =	sld [smem:$0x0];
	_ =	sdelay $0x2  }
0xb8: {  	s31 =	sshll.u32 s1, $0xD;
	s1 =	sshrl.u32 s1, $0x2  }
0xb9: {  	s3 =	sand.u32 $0x4000, s31;
	s1 =	sadd.s32 s1, s30  }
0xba: {  	s0 =	sor.u32 s3, s0;
	s1 =	sshll.u32 s1, $0x11  }
0xbb: {  	s0 =	sor.u32 s1, s0  }
0xbc: {  	s0 =	sadd.s32 $0x8F2B, s0  }
0xbd: {  	[sflag:s0] =	ssyncadd.remote.s32 $0x1  }
0xbe: {  	_ =	sfence.sel $0xFFFF  }
0xbf: {  	[dreg:$0x0] =	wrdreg $0xFFFFFFFF;
	(pc) =	sbr.abs _section_cstart, $3  }
0xc0: {  	[dreg:$0x1] =	wrdreg $0xFFFFFFFF  }
0xc1: {  	_ =	task.clear_ibuf [dreg:s7], $0x2FFFF;
	_ =	strace $0x9FFFFFFF  }
0xc2: {  	(tm) =	ssettm $0x7FFFFFFF  }
0xc3: {  	_ =	shalt  }
tec
execute0_lowered:
.L_overlay_start_1:
0x0: {  	(tag) =	ssettag $0x1  }
0x1: {  	s5 =	rddreg [dreg:$0x0]  }
0x2: {  	s1 =	srdreg.scid;
	s0 =	stileid.u32  }
0x3: {  	s8 =	rddreg [dreg:$0x1];
	s10 =	sand.u32 $0x1, s1;
	s3 =	sshll.u32 s0, $0x1  }
0x4: {  	s2 =	simm.s32 $0x0;
	s1 =	rddreg [dreg:$0x2];
	s9 =	sor.u32 s10, s3  }
0x5: {  	[smem:$0x7FF] =	sst s2;
	s3 =	sadd.s32 s9, s5  }
0x6: {  	_ =	strace $0x80000047;
	s4 =	sadd.s32 $0x800, s3;
	s3 =	simm.s32 $0x2  }
0x7: {  	[tilespmem:s2], [sflag:$0x2] =	stream.linear.gather [hbm4b:s4+s2], $0x8, $0x38;
	[tilespmem:$0x248] =	vst v63  }
0x8: {  	_ =	swait.ge [sflag:s3], $0x8  }
0x9: {  	s6 =	simm.s32 $0x8;
	[sflag:s3] =	ssyncset.done $0x0  }
0xa: {  	s7 =	simm.s32 $0x1;
	s5 =	sadd.s32 $0xF42C00, s5;
	[sflag:s3] =	ssyncadd.s32 $0xFFFFFFF8  }
0xb: {  	[tilespmem:s6], [sflag:$0x1] =	stream.indirect.gather [hbm4b:s5+s6], $0x40, s2, s6, $0xb8;
	[tilespmem:$0x248] =	vst v63  }
0xc: {  	_ =	swait.ge [sflag:s7], $0x200  }
0xd: {  	[sflag:s7] =	ssyncset.done $0x0  }
0xe: {  	[sflag:s7] =	ssyncadd.s32 $0xFFFFFE00  }
0xf: {  	v2 =	vld [tilespmem:$0xE8]  }
0x10: {  	v3 =	vld [tilespmem:$0x98]  }
0x11: {  	v1 =	vld [tilespmem:$0x48]  }
0x12: {  	v4 =	vld [tilespmem:$0xF8]  }
0x13: {  	v5 =	vld [tilespmem:$0xA8]  }
0x14: {  	v6 =	vld [tilespmem:$0xB8]  }
0x15: {  	v7 =	vld [tilespmem:$0x58]  }
0x16: {  	v8 =	vld [tilespmem:$0x68]  }
0x17: {  	v9 =	vld [tilespmem:$0x78]  }
0x18: {  	v10 =	vld [tilespmem:$0x38]  }
0x19: {  	v11 =	vld [tilespmem:$0x28]  }
0x1a: {  	s11 =	simm.f32 $1.000000000e+00;
	p0 =	slt.u32 s9, $0x19;
	v12 =	vld [tilespmem:$0x18]  }
0x1b: {  	s11 =	simm.s32 @!p0 $0x0;
	v13 =	vld [tilespmem:$0x8]  }
0x1c: {  	v0 =	vmov s11;
	v14 =	vld [tilespmem:$0x88]  }
0x1d: {  	v16 =	vld [tilespmem:$0xC8];
	v15 =	vmul.f32 v7, v0  }
0x1e: {  	v20 =	vld [tilespmem:$0x128];
	v19 =	vmul.f32 v6, v0;
	v5 =	vmul.f32 v5, v0  }
0x1f: {  	v23 =	vld [tilespmem:$0x118];
	v18 =	vmul.f32 v1, v0;
	v17 =	vmul.f32 v9, v0  }
0x20: {  	s10 =	ssub.s32 $0x2, s10;
	v24 =	vld [tilespmem:$0x108];
	v1 =	vmul.f32 v4, v0;
	v4 =	vmul.f32 v11, v0  }
0x21: {  	s31 =	sshrl.u32 s10, $0x1;
	v7 =	vld [tilespmem:$0xD8];
	v21 =	vmul.f32 v3, v0;
	v3 =	vmul.f32 v12, v0  }
0x22: {  	s10 =	ssub.s32 s10, s31;
	v11 =	vld [tilespmem:$0x178];
	v22 =	vmul.f32 v2, v0;
	v10 =	vmul.f32 v10, v0  }
0x23: {  	s10 =	smax.u32 s10, $0x1;
	v2 =	vmul.f32 v8, v0;
	v8 =	vld [tilespmem:$0x138];
	v12 =	vadd.f32 $0.0e+00, v4;
	v25 =	vadd.f32 $0.0e+00, v3  }
0x24: {  	p0 =	sne.s32 s10, $0x1;
	v6 =	vmul.f32 v14, v0;
	v9 =	vld [tilespmem:$0x158];
	v13 =	vmul.f32 v13, v0;
	v10 =	vadd.f32 $0.0e+00, v10  }
.Ltmp0:
0x25: {  	v14 =	vld [tilespmem:$0x148];
	v3 =	vmul.f32 v16, v0;
	v12 =	vadd.f32 v2, v12;
	v16 =	vadd.f32 v15, v25;
	(pc) =	sbr.rel @!p0 .LBB2_2-.Ltmp0, $4  }
0x26: {  	v2 =	vmul.f32 v20, v0;
	v20 =	vadd.f32 $0.0e+00, v13;
	v63 =	vadd.f32 v17, v10;
	v15 =	vld [tilespmem:$0x1B8]  }
0x27: {  	v10 =	vld [tilespmem:$0x198];
	v4 =	vmul.f32 v7, v0;
	v12 =	vadd.f32 v5, v12;
	v5 =	vmul.f32 v11, v0  }
0x28: {  	s9 =	sshll.u32 s9, $0x3;
	v7 =	vld [tilespmem:$0x168];
	v11 =	vmul.f32 v23, v0;
	v17 =	vadd.f32 v21, v16;
	v18 =	vadd.f32 v18, v20  }
0x29: {  	s8 =	sadd.s32 s8, s9;
	s9 =	simm.s32 $0x208;
	s10 =	sadd.s32 $0xFFFFFFFF, s10;
	v16 =	vld [tilespmem:$0x1A8];
	v19 =	vadd.f32 v19, v63;
	v13 =	vadd.f32 v22, v12;
	v12 =	vmul.f32 v24, v0  }
.LBB2_1:
0x2a: {  	p0 =	sne.s32 s10, $0x1;
	s10 =	sadd.s32 $0xFFFFFFFF, s10;
	v20 =	vld [tilespmem:$0x188]  }
0x2b: {  	v8 =	vmul.f32 v8, v0;
	v6 =	vadd.f32 v6, v18;
	v1 =	vadd.f32 v1, v19;
	v18 =	vld [tilespmem:$0x1F8]  }
0x2c: {  	v9 =	vmul.f32 v9, v0;
	v14 =	vmul.f32 v14, v0;
	v19 =	vld [tilespmem:$0x1D8]  }
0x2d: {  	v4 =	vadd.f32 v4, v17;
	v17 =	vld [tilespmem:$0x1E8];
	v1 =	vadd.f32 v8, v1;
	v8 =	vmul.f32 v15, v0  }
0x2e: {  	v7 =	vmul.f32 v7, v0;
	v3 =	vadd.f32 v3, v6;
	v6 =	vld [tilespmem:$0x1C8];
	v15 =	vmul.f32 v16, v0  }
0x2f: {  	v2 =	vadd.f32 v2, v13;
	v4 =	vadd.f32 v11, v4;
	v16 =	vmul.f32 v20, v0  }
0x30: {  	v3 =	vadd.f32 v12, v3;
	v1 =	vadd.f32 v5, v1;
	v5 =	vmul.f32 v18, v0  }
0x31: {  	v2 =	vadd.f32 v7, v2;
	v4 =	vadd.f32 v9, v4;
	v9 =	vmul.f32 v10, v0  }
0x32: {  	v3 =	vadd.f32 v14, v3;
	v1 =	vadd.f32 v8, v1;
	v7 =	vmul.f32 v17, v0  }
0x33: {  	v4 =	vadd.f32 v9, v4;
	v2 =	vadd.f32 v15, v2;
	v8 =	vmul.f32 v19, v0  }
0x34: {  	v3 =	vadd.f32 v16, v3;
	v6 =	vmul.f32 v6, v0;
	v1 =	vadd.f32 v5, v1  }
0x35: {  	v4 =	vadd.f32 v8, v4;
	v2 =	vadd.f32 v7, v2  }
0x36: {  	v3 =	vadd.f32 v6, v3;
	[tilespmem:$0x238] =	vst v1  }
0x37: {  	[tilespmem:$0x218] =	vst v4  }
0x38: {  	[tilespmem:$0x208] =	vst v3  }
0x39: {  	[tilespmem:$0x228] =	vst v2  }
0x3a: {  	[hbm4b:s8+s2] =	stream.linear.scatter [tilespmem:s9], [sflag:$0x2], $0x40, $0x38;
	[tilespmem:$0x248] =	vst v63  }
0x3b: {  	_ =	swait.ge [sflag:s3], $0x40  }
0x3c: {  	[sflag:s3] =	ssyncset.done $0x0  }
0x3d: {  	[sflag:s3] =	ssyncadd.s32 $0xFFFFFFC0  }
0x3e: {  	[tilespmem:s2], [sflag:$0x2] =	stream.linear.gather [hbm4b:s4+s2], $0x8, $0x38;
	[tilespmem:$0x248] =	vst v63  }
0x3f: {  	_ =	swait.ge [sflag:s3], $0x8  }
0x40: {  	[sflag:s3] =	ssyncset.done $0x0  }
0x41: {  	[sflag:s3] =	ssyncadd.s32 $0xFFFFFFF8  }
0x42: {  	[tilespmem:s6], [sflag:$0x1] =	stream.indirect.gather [hbm4b:s5+s6], $0x40, s2, s6, $0xb8;
	[tilespmem:$0x248] =	vst v63  }
0x43: {  	_ =	swait.ge [sflag:s7], $0x200  }
0x44: {  	[sflag:s7] =	ssyncset.done $0x0  }
0x45: {  	[sflag:s7] =	ssyncadd.s32 $0xFFFFFE00  }
0x46: {  	v2 =	vld [tilespmem:$0xE8]  }
0x47: {  	v3 =	vld [tilespmem:$0x98]  }
0x48: {  	v1 =	vld [tilespmem:$0x48]  }
0x49: {  	v4 =	vld [tilespmem:$0xF8]  }
0x4a: {  	v5 =	vld [tilespmem:$0xA8]  }
0x4b: {  	v6 =	vld [tilespmem:$0xB8]  }
0x4c: {  	v7 =	vld [tilespmem:$0x58]  }
0x4d: {  	v8 =	vld [tilespmem:$0x68]  }
0x4e: {  	v9 =	vld [tilespmem:$0x78]  }
0x4f: {  	v10 =	vld [tilespmem:$0x38]  }
0x50: {  	v11 =	vld [tilespmem:$0x28]  }
0x51: {  	v12 =	vld [tilespmem:$0x18];
	v13 =	vmul.f32 v7, v0  }
0x52: {  	v19 =	vmul.f32 v6, v0;
	v7 =	vld [tilespmem:$0x8]  }
0x53: {  	v15 =	vmul.f32 v5, v0;
	v6 =	vld [tilespmem:$0x88]  }
0x54: {  	v16 =	vmul.f32 v1, v0;
	v17 =	vmul.f32 v9, v0;
	v5 =	vld [tilespmem:$0xD8]  }
0x55: {  	v1 =	vmul.f32 v4, v0;
	v9 =	vld [tilespmem:$0xC8]  }
0x56: {  	v18 =	vmul.f32 v3, v0;
	v14 =	vld [tilespmem:$0x128]  }
0x57: {  	v20 =	vmul.f32 v2, v0;
	v3 =	vmul.f32 v11, v0;
	v11 =	vld [tilespmem:$0x178]  }
0x58: {  	v2 =	vmul.f32 v8, v0;
	v6 =	vmul.f32 v6, v0;
	v21 =	vld [tilespmem:$0x118]  }
0x59: {  	v12 =	vmul.f32 v12, v0;
	v22 =	vld [tilespmem:$0x108];
	v4 =	vmul.f32 v5, v0;
	v5 =	vadd.f32 $0.0e+00, v3  }
0x5a: {  	v10 =	vmul.f32 v10, v0;
	v3 =	vmul.f32 v9, v0;
	v8 =	vld [tilespmem:$0x138]  }
0x5b: {  	v12 =	vadd.f32 $0.0e+00, v12;
	v9 =	vld [tilespmem:$0x158];
	v23 =	vadd.f32 v2, v5;
	v2 =	vmul.f32 v14, v0  }
.Ltmp1:
0x5c: {  	v10 =	vadd.f32 $0.0e+00, v10;
	v24 =	vmul.f32 v7, v0;
	v7 =	vld [tilespmem:$0x168];
	v5 =	vmul.f32 v11, v0;
	(pc) =	sbr.rel @p0 .LBB2_1-.Ltmp1, $4  }
0x5d: {  	v13 =	vadd.f32 v13, v12;
	v14 =	vld [tilespmem:$0x148];
	v11 =	vmul.f32 v21, v0;
	v21 =	vadd.f32 v15, v23  }
0x5e: {  	v23 =	vadd.f32 $0.0e+00, v24;
	v12 =	vmul.f32 v22, v0;
	v22 =	vadd.f32 v17, v10;
	v15 =	vld [tilespmem:$0x1B8]  }
0x5f: {  	v17 =	vadd.f32 v18, v13;
	v10 =	vld [tilespmem:$0x198];
	v13 =	vadd.f32 v20, v21  }
0x60: {  	v18 =	vadd.f32 v16, v23;
	v16 =	vld [tilespmem:$0x1A8];
	v19 =	vadd.f32 v19, v22  }
.LBB2_2:
0x61: {  	v20 =	vld [tilespmem:$0x188];
	v8 =	vmul.f32 v8, v0;
	v9 =	vmul.f32 v9, v0;
	v4 =	vadd.f32 v4, v17  }
0x62: {  	v54 =	vld [tilespmem:$0x1D8];
	v6 =	vadd.f32 v6, v18;
	v1 =	vadd.f32 v1, v19;
	v14 =	vmul.f32 v14, v0  }
0x63: {  	v53 =	vld [tilespmem:$0x1F8];
	v2 =	vadd.f32 v2, v13;
	v55 =	vmul.f32 v15, v0;
	v4 =	vadd.f32 v11, v4  }
0x64: {  	v58 =	vld [tilespmem:$0x1E8];
	v1 =	vadd.f32 v8, v1;
	v3 =	vadd.f32 v3, v6;
	v7 =	vmul.f32 v7, v0  }
0x65: {  	v56 =	vld [tilespmem:$0x1C8];
	v60 =	vmul.f32 v10, v0;
	v57 =	vmul.f32 v16, v0;
	v4 =	vadd.f32 v9, v4  }
0x66: {  	v59 =	vmul.f32 v20, v0;
	v3 =	vadd.f32 v12, v3;
	v1 =	vadd.f32 v5, v1  }
0x67: {  	v2 =	vadd.f32 v7, v2;
	v62 =	vmul.f32 v54, v0;
	v4 =	vadd.f32 v60, v4  }
0x68: {  	v61 =	vmul.f32 v53, v0;
	v3 =	vadd.f32 v14, v3;
	v1 =	vadd.f32 v55, v1  }
0x69: {  	v63 =	vmul.f32 v58, v0;
	v2 =	vadd.f32 v57, v2;
	v4 =	vadd.f32 v62, v4  }
0x6a: {  	v6 =	vmul.f32 v56, v0;
	v3 =	vadd.f32 v59, v3;
	v1 =	vadd.f32 v61, v1  }
0x6b: {  	v0 =	vadd.f32 v63, v2;
	[tilespmem:$0x218] =	vst v4  }
0x6c: {  	v3 =	vadd.f32 v6, v3;
	[tilespmem:$0x238] =	vst v1  }
0x6d: {  	[tilespmem:$0x228] =	vst v0  }
0x6e: {  	[tilespmem:$0x208] =	vst v3  }
0x6f: {  	[hbm4b:s8+s2] =	stream.linear.scatter [tilespmem:s9], [sflag:$0x2], $0x40, $0x38;
	[tilespmem:$0x248] =	vst v63  }
0x70: {  	_ =	swait.ge [sflag:s3], $0x40  }
0x71: {  	[sflag:s3] =	ssyncset.done $0x0  }
0x72: {  	[sflag:s3] =	ssyncadd.s32 $0xFFFFFFC0  }
0x73: {  	_ =	sfence.sel $0x180000  }
0x74: {  	[bflag:$0x0] =	sbarrier.arrive $0xFFFF  }
0x75: {  	p0 =	sne.s32 s0, $0x0;
	_ =	strace $0x90000047  }
0x76: {  	s0 =	sadd.s32 @!p0 $0x100000, s1;
	[bflag:$0x2] =	sbarrier.arrive $0xFFFF  }
0x77: {  	[sflag:s0] =	ssyncadd.tile.s32 @!p0 $0x1;
	_ =	shalt  }
.Lfunc_end2:
_tile_overlayer_lowered:
.L_overlay_start_2:
0x78: {  	(tag) =	ssettag $0x2  }
0x79: {  	s0 =	rddreg [dreg:$0x0];
	s2 =	stileid.u32  }
0x7a: {  	s1 =	rddreg [dreg:$0x1];
	p0 =	sne.s32 s2, $0x0  }
0x7b: {  	s3 =	rddreg [dreg:$0x2];
	[bflag:$0x3] =	sbarrier.arrive $0xFFFF;
	s2 =	simm.s32 @!p0 $0x1C02  }
0x7c: {  	[timem:s3], [sflag:s2] =	dma.local @!p0 [hbm:s0], s1  }
0x7d: {  	s0 =	simm.s32 @!p0 $0x2  }
0x7e: {  	_ =	swait.ge @!p0 [sflag:s0], s1  }
0x7f: {  	s1 =	ssub.s32 @!p0 $0x0, s1;
	[sflag:s0] =	ssyncset.done @!p0 $0x0  }
0x80: {  	[sflag:s0] =	ssyncadd.s32 @!p0 s1  }
0x81: {  	[bflag:$0x3] =	sbarrier.arrive $0xFFFF  }
0x82: {  	_ =	shalt  }

</sc_bundles>
